<compile_context>
chip_gen: v7x
topology: tpu7x:2x2x1
jax: 0.10.2.dev20260603
libtpu: 0.0.44.dev20260713+nightly
codegen_flags: <defaults>
</compile_context>

<pallas_src>
import jax
import jax.numpy as jnp
from jax.experimental import pallas as pl

_PRE = 2000
_POST = 1000
_T = 0.7
_NB = 16
_BS = 128
_PAD = _NB * _BS


def _nms_kernel(x0r_ref, y0r_ref, x1r_ref, y1r_ref,
                cx0_ref, cy0_ref, cx1_ref, cy1_ref, sc_ref,
                out_ref, keep_ref):
    keep_ref[...] = jnp.ones((_NB, _BS), jnp.float32)
    upper = (jax.lax.broadcasted_iota(jnp.int32, (_BS, _BS), 0)
             < jax.lax.broadcasted_iota(jnp.int32, (_BS, _BS), 1))

    def outer(b, carry):
        bx0 = cx0_ref[pl.ds(b, 1)].reshape(_BS, _BS)
        by0 = cy0_ref[pl.ds(b, 1)].reshape(_BS, _BS)
        bx1 = cx1_ref[pl.ds(b, 1)].reshape(_BS, _BS)
        by1 = cy1_ref[pl.ds(b, 1)].reshape(_BS, _BS)
        ba = (bx1 - bx0) * (by1 - by0)

        def tile_iou(c):
            rx0 = x0r_ref[pl.ds(c, 1), :]
            ry0 = y0r_ref[pl.ds(c, 1), :]
            rx1 = x1r_ref[pl.ds(c, 1), :]
            ry1 = y1r_ref[pl.ds(c, 1), :]
            ra = (rx1 - rx0) * (ry1 - ry0)
            iw = jnp.maximum(
                jnp.minimum(bx1, rx1) - jnp.maximum(bx0, rx0), 0.0)
            ih = jnp.maximum(
                jnp.minimum(by1, ry1) - jnp.maximum(by0, ry0), 0.0)
            inter = iw * ih
            return inter / (ba + ra - inter + 1e-9)

        supf_bb = jnp.where((tile_iou(b) > _T) & upper, 1.0, 0.0)
        kb0 = keep_ref[pl.ds(b, 1), :]

        def cond(st):
            k, prev = st
            return jnp.sum(jnp.abs(k - prev)) > 0.0

        def body(st):
            k, _ = st
            cnt = jnp.dot(jnp.broadcast_to(k, (8, _BS)), supf_bb,
                          preferred_element_type=jnp.float32)[0:1, :]
            return (jnp.where(cnt > 0.0, 0.0, kb0), k)

        kb, _ = jax.lax.while_loop(cond, body, (kb0, kb0 - 1.0))
        keep_ref[pl.ds(b, 1), :] = kb
        kb8 = jnp.broadcast_to(kb, (8, _BS))

        def cross(c, carry):
            supf = jnp.where(tile_iou(c) > _T, 1.0, 0.0)
            cnt = jnp.dot(kb8, supf,
                          preferred_element_type=jnp.float32)[0:1, :]
            kc = keep_ref[pl.ds(c, 1), :]
            keep_ref[pl.ds(c, 1), :] = jnp.where(cnt > 0.0, 0.0, kc)
            return carry

        return jax.lax.fori_loop(b + 1, _NB, cross, carry)

    jax.lax.fori_loop(0, _NB, outer, 0)

    w = x1r_ref[...] - x0r_ref[...]
    h = y1r_ref[...] - y0r_ref[...]
    ok = (keep_ref[...] > 0.0) & (w > 0.0) & (h > 0.0)
    out_ref[...] = jnp.where(ok, sc_ref[...], -1e9)


def _run_nms(boxes_top, scores_top):
    bp = jnp.concatenate(
        [boxes_top, jnp.zeros((_PAD - _PRE, 4), boxes_top.dtype)], axis=0)
    sp = jnp.concatenate(
        [scores_top, jnp.zeros((_PAD - _PRE,), scores_top.dtype)], axis=0)
    rows = [bp[:, k].reshape(_NB, _BS) for k in range(4)]
    cols = [jnp.broadcast_to(r[:, :, None], (_NB, _BS, _BS)) for r in rows]
    masked, _ = pl.pallas_call(
        _nms_kernel,
        out_shape=(jax.ShapeDtypeStruct((_NB, _BS), jnp.float32),
                   jax.ShapeDtypeStruct((_NB, _BS), jnp.float32)),
    )(*rows, *cols, sp.reshape(_NB, _BS))
    return masked.reshape(_PAD)[:_PRE]


def kernel(boxes, scores):
    scores_top, idx = jax.lax.top_k(scores, _PRE)
    boxes_top = jnp.take(boxes, idx, axis=0)
    masked = _run_nms(boxes_top, scores_top)
    final_scores, order = jax.lax.top_k(masked, _POST)
    final_boxes = jnp.take(boxes_top, order, axis=0)
    return jnp.concatenate([final_boxes, final_scores[:, None]], axis=-1)

# --- scband reference (transcript-rebuilt; emitter-appended) ---
"""Pipeline reference for scband-wsovodrpn-v2-68083821576582 (READ-ONLY COPY).

The authoritative reference and input builder live on the scoring server;
editing this copy changes nothing except your own understanding.
"""

import jax, jax.numpy as jnp
import numpy as np

N_BOXES = 20000
PRE_NMS_TOPK = 2000
POST_NMS_TOPK = 1000
NMS_THRESH = 0.7
MIN_BOX_SIZE = 0.0


def pairwise_iou(a, b):
    area_a = (a[:, 2] - a[:, 0]) * (a[:, 3] - a[:, 1])
    area_b = (b[:, 2] - b[:, 0]) * (b[:, 3] - b[:, 1])
    lt = jnp.maximum(a[:, None, :2], b[None, :, :2])
    rb = jnp.minimum(a[:, None, 2:], b[None, :, 2:])
    wh = jnp.clip(rb - lt, 0.0)
    inter = wh[..., 0] * wh[..., 1]
    return inter / (area_a[:, None] + area_b[None, :] - inter + 1e-9)


def _nms_keep(boxes_sorted, iou_thresh):
    # boxes_sorted: [n, 4] in descending score order; exact sequential NMS.
    n = boxes_sorted.shape[0]
    ious = pairwise_iou(boxes_sorted, boxes_sorted)
    idxs = jnp.arange(n)

    def body(i, keep):
        suppress = (ious[i] > iou_thresh) & (idxs > i) & keep[i]
        return keep & (~suppress)

    return jax.lax.fori_loop(0, n, body, jnp.ones((n,), dtype=bool))


def setup_inputs(seed: int = 0) -> dict:
    key = jax.random.key(seed)
    k1, k2, k3 = jax.random.split(key, 3)
    cxcy = jax.random.uniform(k1, (N_BOXES, 2), minval=0.0, maxval=1024.0, dtype=jnp.float32)
    wh = jax.random.uniform(k2, (N_BOXES, 2), minval=8.0, maxval=256.0, dtype=jnp.float32)
    boxes = jnp.concatenate([cxcy - wh / 2.0, cxcy + wh / 2.0], axis=-1)
    scores = jax.random.normal(k3, (N_BOXES,), dtype=jnp.float32)
    return {"boxes": boxes, "scores": scores}


def reference(boxes, scores):
    # Mirrors RPN find_top_rpn_proposals: pre-NMS top-k -> min-size filter -> NMS -> post-NMS top-k.
    scores_top, idx = jax.lax.top_k(scores, PRE_NMS_TOPK)
    boxes_top = jnp.take(boxes, idx, axis=0)
    w = boxes_top[:, 2] - boxes_top[:, 0]
    h = boxes_top[:, 3] - boxes_top[:, 1]
    valid = (w > MIN_BOX_SIZE) & (h > MIN_BOX_SIZE)
    keep = _nms_keep(jax.lax.stop_gradient(boxes_top), NMS_THRESH)
    masked = jnp.where(keep & valid, scores_top, -1e9)
    final_scores, order = jax.lax.top_k(masked, POST_NMS_TOPK)
    final_boxes = jnp.take(boxes_top, order, axis=0)
    out = jnp.concatenate([final_boxes, final_scores[:, None]], axis=-1)
    return out

if __name__ == "__main__":
    import jax
    _d = setup_inputs()
    print(jax.jit(kernel)(*tuple(_d.values())))

</pallas_src>

<mosaic_0001>
module attributes {stable_mosaic.version = 14 : i64} {
  func.func @_nms_kernel(%arg0: memref<16x128xf32, #tpu.memory_space<vmem>>, %arg1: memref<16x128xf32, #tpu.memory_space<vmem>>, %arg2: memref<16x128xf32, #tpu.memory_space<vmem>>, %arg3: memref<16x128xf32, #tpu.memory_space<vmem>>, %arg4: memref<16x128x128xf32, #tpu.memory_space<vmem>>, %arg5: memref<16x128x128xf32, #tpu.memory_space<vmem>>, %arg6: memref<16x128x128xf32, #tpu.memory_space<vmem>>, %arg7: memref<16x128x128xf32, #tpu.memory_space<vmem>>, %arg8: memref<16x128xf32, #tpu.memory_space<vmem>>, %arg9: memref<16x128xf32, #tpu.memory_space<vmem>>, %arg10: memref<16x128xf32, #tpu.memory_space<vmem>>) attributes {dimension_semantics = [], scalar_prefetch = 0 : i64, scratch_operands = 0 : i64, tpu.core_type = #tpu.core_type<tc>} {
    %broadcast_in_dim3A = arith.constant 1.000000e+00 : f32
    %broadcast_in_dim3A_0 = vector.broadcast %broadcast_in_dim3A : f32 to vector<16x128xf32>
    %swap3A = arith.constant 0 : index
    %swap3A_1 = arith.constant 0 : index
    %swap3A_2 = vector.load %arg10[%swap3A, %swap3A_1] : memref<16x128xf32, #tpu.memory_space<vmem>>, vector<16x128xf32>
    tpu.vector_store %arg10[%swap3A, %swap3A_1], %broadcast_in_dim3A_0 {strides = array<i32>} : memref<16x128xf32, #tpu.memory_space<vmem>>, vector<16x128xf32>,
    %iota3A = tpu.iota {dimensions = array<i32: 0>} : vector<128x128xi32>
    %iota3A_3 = tpu.iota {dimensions = array<i32: 1>} : vector<128x128xi32>
    %lt3A = arith.cmpi slt, %iota3A, %iota3A_3 : vector<128x128xi32>
    %scan3A = arith.constant 0 : i32
    %scan3A_4 = arith.constant 0 : i32
    %scan3A_5 = arith.constant 16 : i32
    %scan3A_6 = arith.addi %scan3A_4, %scan3A_5 : i32
    %scan3A_7 = arith.constant 1 : i32
    scf.for %scan3A_40 = %scan3A_4 to %scan3A_6 step %scan3A_7  : i32 {
      %get3A_41 = arith.index_cast %scan3A_40 : i32 to index
      %get3A_42 = arith.constant 0 : index
      %get3A_43 = arith.constant 0 : index
      %get3A_44 = vector.load %arg4[%get3A_41, %get3A_42, %get3A_43] : memref<16x128x128xf32, #tpu.memory_space<vmem>>, vector<1x128x128xf32>
      %reshape3A = vector.shape_cast %get3A_44 : vector<1x128x128xf32> to vector<128x128xf32>
      %get3A_45 = arith.index_cast %scan3A_40 : i32 to index
      %get3A_46 = arith.constant 0 : index
      %get3A_47 = arith.constant 0 : index
      %get3A_48 = vector.load %arg5[%get3A_45, %get3A_46, %get3A_47] : memref<16x128x128xf32, #tpu.memory_space<vmem>>, vector<1x128x128xf32>
      %reshape3A_49 = vector.shape_cast %get3A_48 : vector<1x128x128xf32> to vector<128x128xf32>
      %get3A_50 = arith.index_cast %scan3A_40 : i32 to index
      %get3A_51 = arith.constant 0 : index
      %get3A_52 = arith.constant 0 : index
      %get3A_53 = vector.load %arg6[%get3A_50, %get3A_51, %get3A_52] : memref<16x128x128xf32, #tpu.memory_space<vmem>>, vector<1x128x128xf32>
      %reshape3A_54 = vector.shape_cast %get3A_53 : vector<1x128x128xf32> to vector<128x128xf32>
      %get3A_55 = arith.index_cast %scan3A_40 : i32 to index
      %get3A_56 = arith.constant 0 : index
      %get3A_57 = arith.constant 0 : index
      %get3A_58 = vector.load %arg7[%get3A_55, %get3A_56, %get3A_57] : memref<16x128x128xf32, #tpu.memory_space<vmem>>, vector<1x128x128xf32>
      %reshape3A_59 = vector.shape_cast %get3A_58 : vector<1x128x128xf32> to vector<128x128xf32>
      %sub3A_60 = arith.subf %reshape3A_54, %reshape3A : vector<128x128xf32>
      %sub3A_61 = arith.subf %reshape3A_59, %reshape3A_49 : vector<128x128xf32>
      %mul3A = arith.mulf %sub3A_60, %sub3A_61 : vector<128x128xf32>
      %get3A_62 = arith.index_cast %scan3A_40 : i32 to index
      %get3A_63 = arith.constant 0 : index
      %get3A_64 = vector.load %arg0[%get3A_62, %get3A_63] : memref<16x128xf32, #tpu.memory_space<vmem>>, vector<1x128xf32>
      %get3A_65 = arith.index_cast %scan3A_40 : i32 to index
      %get3A_66 = arith.constant 0 : index
      %get3A_67 = vector.load %arg1[%get3A_65, %get3A_66] : memref<16x128xf32, #tpu.memory_space<vmem>>, vector<1x128xf32>
      %get3A_68 = arith.index_cast %scan3A_40 : i32 to index
      %get3A_69 = arith.constant 0 : index
      %get3A_70 = vector.load %arg2[%get3A_68, %get3A_69] : memref<16x128xf32, #tpu.memory_space<vmem>>, vector<1x128xf32>
      %get3A_71 = arith.index_cast %scan3A_40 : i32 to index
      %get3A_72 = arith.constant 0 : index
      %get3A_73 = vector.load %arg3[%get3A_71, %get3A_72] : memref<16x128xf32, #tpu.memory_space<vmem>>, vector<1x128xf32>
      %sub3A_74 = arith.subf %get3A_70, %get3A_64 : vector<1x128xf32>
      %sub3A_75 = arith.subf %get3A_73, %get3A_67 : vector<1x128xf32>
      %mul3A_76 = arith.mulf %sub3A_74, %sub3A_75 : vector<1x128xf32>
      %min3A = vector.broadcast %get3A_70 : vector<1x128xf32> to vector<128x128xf32>
      %min3A_77 = arith.minimumf %reshape3A_54, %min3A : vector<128x128xf32>
      %max3A = vector.broadcast %get3A_64 : vector<1x128xf32> to vector<128x128xf32>
      %max3A_78 = arith.maximumf %reshape3A, %max3A : vector<128x128xf32>
      %sub3A_79 = arith.subf %min3A_77, %max3A_78 : vector<128x128xf32>
      %max3A_80 = arith.constant 0.000000e+00 : f32
      %max3A_81 = vector.broadcast %max3A_80 : f32 to vector<128x128xf32>
      %max3A_82 = arith.maximumf %sub3A_79, %max3A_81 : vector<128x128xf32>
      %min3A_83 = vector.broadcast %get3A_73 : vector<1x128xf32> to vector<128x128xf32>
      %min3A_84 = arith.minimumf %reshape3A_59, %min3A_83 : vector<128x128xf32>
      %max3A_85 = vector.broadcast %get3A_67 : vector<1x128xf32> to vector<128x128xf32>
      %max3A_86 = arith.maximumf %reshape3A_49, %max3A_85 : vector<128x128xf32>
      %sub3A_87 = arith.subf %min3A_84, %max3A_86 : vector<128x128xf32>
      %max3A_88 = arith.constant 0.000000e+00 : f32
      %max3A_89 = vector.broadcast %max3A_88 : f32 to vector<128x128xf32>
      %max3A_90 = arith.maximumf %sub3A_87, %max3A_89 : vector<128x128xf32>
      %mul3A_91 = arith.mulf %max3A_82, %max3A_90 : vector<128x128xf32>
      %add3A = vector.broadcast %mul3A_76 : vector<1x128xf32> to vector<128x128xf32>
      %add3A_92 = arith.addf %mul3A, %add3A : vector<128x128xf32>
      %sub3A_93 = arith.subf %add3A_92, %mul3A_91 : vector<128x128xf32>
      %add3A_94 = arith.constant 9.99999971E-10 : f32
      %add3A_95 = vector.broadcast %add3A_94 : f32 to vector<128x128xf32>
      %add3A_96 = arith.addf %sub3A_93, %add3A_95 : vector<128x128xf32>
      %div3A = arith.divf %mul3A_91, %add3A_96 : vector<128x128xf32>
      %gt3A_97 = arith.constant 0.699999988 : f32
      %gt3A_98 = vector.broadcast %gt3A_97 : f32 to vector<128x128xf32>
      %gt3A_99 = arith.cmpf ogt, %div3A, %gt3A_98 : vector<128x128xf32>
      %and3A_100 = arith.andi %gt3A_99, %lt3A : vector<128x128xi1>
      %jit3A_101 = arith.constant 1.000000e+00 : f32
      %jit3A_102 = arith.constant 0.000000e+00 : f32
      %broadcast_in_dim3A_103 = vector.broadcast %jit3A_101 : f32 to vector<128x128xf32>
      %broadcast_in_dim3A_104 = vector.broadcast %jit3A_102 : f32 to vector<128x128xf32>
      %select_n3A_105 = arith.select %and3A_100, %broadcast_in_dim3A_103, %broadcast_in_dim3A_104 : vector<128x128xi1>, vector<128x128xf32>
      %get3A_106 = arith.index_cast %scan3A_40 : i32 to index
      %get3A_107 = arith.constant 0 : index
      %get3A_108 = vector.load %arg10[%get3A_106, %get3A_107] : memref<16x128xf32, #tpu.memory_space<vmem>>, vector<1x128xf32>
      %sub3A_109 = arith.constant 1.000000e+00 : f32
      %sub3A_110 = vector.broadcast %sub3A_109 : f32 to vector<1x128xf32>
      %sub3A_111 = arith.subf %get3A_108, %sub3A_110 : vector<1x128xf32>
      %while3A:2 = scf.while (%while3A_128 = %get3A_108, %while3A_129 = %sub3A_111) : (vector<1x128xf32>, vector<1x128xf32>) -> (vector<1x128xf32>, vector<1x128xf32>) {
        %sub3A_130 = arith.subf %while3A_128, %while3A_129 : vector<1x128xf32>
        %abs3A = math.absf %sub3A_130 : vector<1x128xf32>
        %reduce_sum3A = vector.shape_cast %abs3A : vector<1x128xf32> to vector<1x1x128xf32>
        %reduce_sum3A_131 = arith.constant dense<0.000000e+00> : vector<1xf32>
        %reduce_sum3A_132 = vector.multi_reduction <add>, %reduce_sum3A, %reduce_sum3A_131 [1, 2] : vector<1x1x128xf32> to vector<1xf32>
        %reduce_sum3A_133 = vector.shape_cast %reduce_sum3A_132 : vector<1xf32> to vector<1x1x1xf32>
        %reduce_sum3A_134 = vector.extract %reduce_sum3A_133[0, 0, 0] : f32 from vector<1x1x1xf32>
        %gt3A_135 = arith.constant 0.000000e+00 : f32
        %gt3A_136 = arith.cmpf ogt, %reduce_sum3A_134, %gt3A_135 : f32
        scf.condition(%gt3A_136) %while3A_128, %while3A_129 : vector<1x128xf32>, vector<1x128xf32>
      } do {
      ^bb0(%while3A_128: vector<1x128xf32>, %while3A_129: vector<1x128xf32>):
        %broadcast_in_dim3A_130 = vector.shape_cast %while3A_128 : vector<1x128xf32> to vector<1x128xf32>
        %broadcast_in_dim3A_131 = vector.broadcast %broadcast_in_dim3A_130 : vector<1x128xf32> to vector<8x128xf32>
        %dot_general3A = arith.constant dense<0.000000e+00> : vector<8x128xf32>
        %dot_general3A_132 = tpu.matmul %broadcast_in_dim3A_131, %select_n3A_105, %dot_general3A {dimension_numbers = #tpu.dot_dimension_numbers<[1], [0], [0], [1], [0, 0, 1, 1], [], []>, transpose_lhs_hint = false} : vector<8x128xf32>, vector<128x128xf32>, vector<8x128xf32> -> vector<8x128xf32>
        %slice3A = vector.extract_strided_slice %dot_general3A_132 {offsets = [0, 0], sizes = [1, 128], strides = [1, 1]} : vector<8x128xf32> to vector<1x128xf32>
        %gt3A_133 = arith.constant 0.000000e+00 : f32
        %gt3A_134 = vector.broadcast %gt3A_133 : f32 to vector<1x128xf32>
        %gt3A_135 = arith.cmpf ogt, %slice3A, %gt3A_134 : vector<1x128xf32>
        %jit3A_136 = arith.constant 0.000000e+00 : f32
        %broadcast_in_dim3A_137 = vector.broadcast %jit3A_136 : f32 to vector<1x128xf32>
        %select_n3A_138 = arith.select %gt3A_135, %broadcast_in_dim3A_137, %get3A_108 : vector<1x128xi1>, vector<1x128xf32>
        scf.yield %select_n3A_138, %while3A_128 : vector<1x128xf32>, vector<1x128xf32>
      }
      %swap3A_112 = arith.index_cast %scan3A_40 : i32 to index
      %swap3A_113 = arith.constant 0 : index
      %swap3A_114 = vector.load %arg10[%swap3A_112, %swap3A_113] : memref<16x128xf32, #tpu.memory_space<vmem>>, vector<1x128xf32>
      tpu.vector_store %arg10[%swap3A_112, %swap3A_113], %while3A#0 {strides = array<i32>} : memref<16x128xf32, #tpu.memory_space<vmem>>, vector<1x128xf32>,
      %broadcast_in_dim3A_115 = vector.shape_cast %while3A#0 : vector<1x128xf32> to vector<1x128xf32>
      %broadcast_in_dim3A_116 = vector.broadcast %broadcast_in_dim3A_115 : vector<1x128xf32> to vector<8x128xf32>
      %add3A_117 = arith.constant 1 : i32
      %add3A_118 = arith.addi %scan3A_40, %add3A_117 : i32
      %while3A_119 = arith.constant 16 : i32
      %while3A_120 = arith.subi %while3A_119, %add3A_118 : i32
      %while3A_121 = arith.addi %add3A_118, %while3A_120 : i32
      %while3A_122 = arith.constant 1 : i32
      %while3A_123 = arith.divsi %while3A_120, %while3A_122 : i32
      %while3A_124 = arith.muli %while3A_123, %while3A_122 : i32
      %while3A_125 = arith.addi %add3A_118, %while3A_124 : i32
      %while3A_126 = arith.constant 1 : i32
      scf.for %while3A_128 = %add3A_118 to %while3A_125 step %while3A_126  : i32 {
        %get3A_129 = arith.index_cast %while3A_128 : i32 to index
        %get3A_130 = arith.constant 0 : index
        %get3A_131 = vector.load %arg0[%get3A_129, %get3A_130] : memref<16x128xf32, #tpu.memory_space<vmem>>, vector<1x128xf32>
        %get3A_132 = arith.index_cast %while3A_128 : i32 to index
        %get3A_133 = arith.constant 0 : index
        %get3A_134 = vector.load %arg1[%get3A_132, %get3A_133] : memref<16x128xf32, #tpu.memory_space<vmem>>, vector<1x128xf32>
        %get3A_135 = arith.index_cast %while3A_128 : i32 to index
        %get3A_136 = arith.constant 0 : index
        %get3A_137 = vector.load %arg2[%get3A_135, %get3A_136] : memref<16x128xf32, #tpu.memory_space<vmem>>, vector<1x128xf32>
        %get3A_138 = arith.index_cast %while3A_128 : i32 to index
        %get3A_139 = arith.constant 0 : index
        %get3A_140 = vector.load %arg3[%get3A_138, %get3A_139] : memref<16x128xf32, #tpu.memory_space<vmem>>, vector<1x128xf32>
        %sub3A_141 = arith.subf %get3A_137, %get3A_131 : vector<1x128xf32>
        %sub3A_142 = arith.subf %get3A_140, %get3A_134 : vector<1x128xf32>
        %mul3A_143 = arith.mulf %sub3A_141, %sub3A_142 : vector<1x128xf32>
        %min3A_144 = vector.broadcast %get3A_137 : vector<1x128xf32> to vector<128x128xf32>
        %min3A_145 = arith.minimumf %reshape3A_54, %min3A_144 : vector<128x128xf32>
        %max3A_146 = vector.broadcast %get3A_131 : vector<1x128xf32> to vector<128x128xf32>
        %max3A_147 = arith.maximumf %reshape3A, %max3A_146 : vector<128x128xf32>
        %sub3A_148 = arith.subf %min3A_145, %max3A_147 : vector<128x128xf32>
        %max3A_149 = arith.constant 0.000000e+00 : f32
        %max3A_150 = vector.broadcast %max3A_149 : f32 to vector<128x128xf32>
        %max3A_151 = arith.maximumf %sub3A_148, %max3A_150 : vector<128x128xf32>
        %min3A_152 = vector.broadcast %get3A_140 : vector<1x128xf32> to vector<128x128xf32>
        %min3A_153 = arith.minimumf %reshape3A_59, %min3A_152 : vector<128x128xf32>
        %max3A_154 = vector.broadcast %get3A_134 : vector<1x128xf32> to vector<128x128xf32>
        %max3A_155 = arith.maximumf %reshape3A_49, %max3A_154 : vector<128x128xf32>
        %sub3A_156 = arith.subf %min3A_153, %max3A_155 : vector<128x128xf32>
        %max3A_157 = arith.constant 0.000000e+00 : f32
        %max3A_158 = vector.broadcast %max3A_157 : f32 to vector<128x128xf32>
        %max3A_159 = arith.maximumf %sub3A_156, %max3A_158 : vector<128x128xf32>
        %mul3A_160 = arith.mulf %max3A_151, %max3A_159 : vector<128x128xf32>
        %add3A_161 = vector.broadcast %mul3A_143 : vector<1x128xf32> to vector<128x128xf32>
        %add3A_162 = arith.addf %mul3A, %add3A_161 : vector<128x128xf32>
        %sub3A_163 = arith.subf %add3A_162, %mul3A_160 : vector<128x128xf32>
        %add3A_164 = arith.constant 9.99999971E-10 : f32
        %add3A_165 = vector.broadcast %add3A_164 : f32 to vector<128x128xf32>
        %add3A_166 = arith.addf %sub3A_163, %add3A_165 : vector<128x128xf32>
        %div3A_167 = arith.divf %mul3A_160, %add3A_166 : vector<128x128xf32>
        %gt3A_168 = arith.constant 0.699999988 : f32
        %gt3A_169 = vector.broadcast %gt3A_168 : f32 to vector<128x128xf32>
        %gt3A_170 = arith.cmpf ogt, %div3A_167, %gt3A_169 : vector<128x128xf32>
        %jit3A_171 = arith.constant 1.000000e+00 : f32
        %jit3A_172 = arith.constant 0.000000e+00 : f32
        %broadcast_in_dim3A_173 = vector.broadcast %jit3A_171 : f32 to vector<128x128xf32>
        %broadcast_in_dim3A_174 = vector.broadcast %jit3A_172 : f32 to vector<128x128xf32>
        %select_n3A_175 = arith.select %gt3A_170, %broadcast_in_dim3A_173, %broadcast_in_dim3A_174 : vector<128x128xi1>, vector<128x128xf32>
        %dot_general3A = arith.constant dense<0.000000e+00> : vector<8x128xf32>
        %dot_general3A_176 = tpu.matmul %broadcast_in_dim3A_116, %select_n3A_175, %dot_general3A {dimension_numbers = #tpu.dot_dimension_numbers<[1], [0], [0], [1], [0, 0, 1, 1], [], []>, transpose_lhs_hint = false} : vector<8x128xf32>, vector<128x128xf32>, vector<8x128xf32> -> vector<8x128xf32>
        %slice3A = vector.extract_strided_slice %dot_general3A_176 {offsets = [0, 0], sizes = [1, 128], strides = [1, 1]} : vector<8x128xf32> to vector<1x128xf32>
        %get3A_177 = arith.index_cast %while3A_128 : i32 to index
        %get3A_178 = arith.constant 0 : index
        %get3A_179 = vector.load %arg10[%get3A_177, %get3A_178] : memref<16x128xf32, #tpu.memory_space<vmem>>, vector<1x128xf32>
        %gt3A_180 = arith.constant 0.000000e+00 : f32
        %gt3A_181 = vector.broadcast %gt3A_180 : f32 to vector<1x128xf32>
        %gt3A_182 = arith.cmpf ogt, %slice3A, %gt3A_181 : vector<1x128xf32>
        %jit3A_183 = arith.constant 0.000000e+00 : f32
        %broadcast_in_dim3A_184 = vector.broadcast %jit3A_183 : f32 to vector<1x128xf32>
        %select_n3A_185 = arith.select %gt3A_182, %broadcast_in_dim3A_184, %get3A_179 : vector<1x128xi1>, vector<1x128xf32>
        %swap3A_186 = arith.index_cast %while3A_128 : i32 to index
        %swap3A_187 = arith.constant 0 : index
        %swap3A_188 = vector.load %arg10[%swap3A_186, %swap3A_187] : memref<16x128xf32, #tpu.memory_space<vmem>>, vector<1x128xf32>
        tpu.vector_store %arg10[%swap3A_186, %swap3A_187], %select_n3A_185 {strides = array<i32>} : memref<16x128xf32, #tpu.memory_space<vmem>>, vector<1x128xf32>,
      }
      %while3A_127 = arith.constant 1 : i32
      scf.for %while3A_128 = %while3A_125 to %while3A_121 step %while3A_127  : i32 {
        %get3A_129 = arith.index_cast %while3A_128 : i32 to index
        %get3A_130 = arith.constant 0 : index
        %get3A_131 = vector.load %arg0[%get3A_129, %get3A_130] : memref<16x128xf32, #tpu.memory_space<vmem>>, vector<1x128xf32>
        %get3A_132 = arith.index_cast %while3A_128 : i32 to index
        %get3A_133 = arith.constant 0 : index
        %get3A_134 = vector.load %arg1[%get3A_132, %get3A_133] : memref<16x128xf32, #tpu.memory_space<vmem>>, vector<1x128xf32>
        %get3A_135 = arith.index_cast %while3A_128 : i32 to index
        %get3A_136 = arith.constant 0 : index
        %get3A_137 = vector.load %arg2[%get3A_135, %get3A_136] : memref<16x128xf32, #tpu.memory_space<vmem>>, vector<1x128xf32>
        %get3A_138 = arith.index_cast %while3A_128 : i32 to index
        %get3A_139 = arith.constant 0 : index
        %get3A_140 = vector.load %arg3[%get3A_138, %get3A_139] : memref<16x128xf32, #tpu.memory_space<vmem>>, vector<1x128xf32>
        %sub3A_141 = arith.subf %get3A_137, %get3A_131 : vector<1x128xf32>
        %sub3A_142 = arith.subf %get3A_140, %get3A_134 : vector<1x128xf32>
        %mul3A_143 = arith.mulf %sub3A_141, %sub3A_142 : vector<1x128xf32>
        %min3A_144 = vector.broadcast %get3A_137 : vector<1x128xf32> to vector<128x128xf32>
        %min3A_145 = arith.minimumf %reshape3A_54, %min3A_144 : vector<128x128xf32>
        %max3A_146 = vector.broadcast %get3A_131 : vector<1x128xf32> to vector<128x128xf32>
        %max3A_147 = arith.maximumf %reshape3A, %max3A_146 : vector<128x128xf32>
        %sub3A_148 = arith.subf %min3A_145, %max3A_147 : vector<128x128xf32>
        %max3A_149 = arith.constant 0.000000e+00 : f32
        %max3A_150 = vector.broadcast %max3A_149 : f32 to vector<128x128xf32>
        %max3A_151 = arith.maximumf %sub3A_148, %max3A_150 : vector<128x128xf32>
        %min3A_152 = vector.broadcast %get3A_140 : vector<1x128xf32> to vector<128x128xf32>
        %min3A_153 = arith.minimumf %reshape3A_59, %min3A_152 : vector<128x128xf32>
        %max3A_154 = vector.broadcast %get3A_134 : vector<1x128xf32> to vector<128x128xf32>
        %max3A_155 = arith.maximumf %reshape3A_49, %max3A_154 : vector<128x128xf32>
        %sub3A_156 = arith.subf %min3A_153, %max3A_155 : vector<128x128xf32>
        %max3A_157 = arith.constant 0.000000e+00 : f32
        %max3A_158 = vector.broadcast %max3A_157 : f32 to vector<128x128xf32>
        %max3A_159 = arith.maximumf %sub3A_156, %max3A_158 : vector<128x128xf32>
        %mul3A_160 = arith.mulf %max3A_151, %max3A_159 : vector<128x128xf32>
        %add3A_161 = vector.broadcast %mul3A_143 : vector<1x128xf32> to vector<128x128xf32>
        %add3A_162 = arith.addf %mul3A, %add3A_161 : vector<128x128xf32>
        %sub3A_163 = arith.subf %add3A_162, %mul3A_160 : vector<128x128xf32>
        %add3A_164 = arith.constant 9.99999971E-10 : f32
        %add3A_165 = vector.broadcast %add3A_164 : f32 to vector<128x128xf32>
        %add3A_166 = arith.addf %sub3A_163, %add3A_165 : vector<128x128xf32>
        %div3A_167 = arith.divf %mul3A_160, %add3A_166 : vector<128x128xf32>
        %gt3A_168 = arith.constant 0.699999988 : f32
        %gt3A_169 = vector.broadcast %gt3A_168 : f32 to vector<128x128xf32>
        %gt3A_170 = arith.cmpf ogt, %div3A_167, %gt3A_169 : vector<128x128xf32>
        %jit3A_171 = arith.constant 1.000000e+00 : f32
        %jit3A_172 = arith.constant 0.000000e+00 : f32
        %broadcast_in_dim3A_173 = vector.broadcast %jit3A_171 : f32 to vector<128x128xf32>
        %broadcast_in_dim3A_174 = vector.broadcast %jit3A_172 : f32 to vector<128x128xf32>
        %select_n3A_175 = arith.select %gt3A_170, %broadcast_in_dim3A_173, %broadcast_in_dim3A_174 : vector<128x128xi1>, vector<128x128xf32>
        %dot_general3A = arith.constant dense<0.000000e+00> : vector<8x128xf32>
        %dot_general3A_176 = tpu.matmul %broadcast_in_dim3A_116, %select_n3A_175, %dot_general3A {dimension_numbers = #tpu.dot_dimension_numbers<[1], [0], [0], [1], [0, 0, 1, 1], [], []>, transpose_lhs_hint = false} : vector<8x128xf32>, vector<128x128xf32>, vector<8x128xf32> -> vector<8x128xf32>
        %slice3A = vector.extract_strided_slice %dot_general3A_176 {offsets = [0, 0], sizes = [1, 128], strides = [1, 1]} : vector<8x128xf32> to vector<1x128xf32>
        %get3A_177 = arith.index_cast %while3A_128 : i32 to index
        %get3A_178 = arith.constant 0 : index
        %get3A_179 = vector.load %arg10[%get3A_177, %get3A_178] : memref<16x128xf32, #tpu.memory_space<vmem>>, vector<1x128xf32>
        %gt3A_180 = arith.constant 0.000000e+00 : f32
        %gt3A_181 = vector.broadcast %gt3A_180 : f32 to vector<1x128xf32>
        %gt3A_182 = arith.cmpf ogt, %slice3A, %gt3A_181 : vector<1x128xf32>
        %jit3A_183 = arith.constant 0.000000e+00 : f32
        %broadcast_in_dim3A_184 = vector.broadcast %jit3A_183 : f32 to vector<1x128xf32>
        %select_n3A_185 = arith.select %gt3A_182, %broadcast_in_dim3A_184, %get3A_179 : vector<1x128xi1>, vector<1x128xf32>
        %swap3A_186 = arith.index_cast %while3A_128 : i32 to index
        %swap3A_187 = arith.constant 0 : index
        %swap3A_188 = vector.load %arg10[%swap3A_186, %swap3A_187] : memref<16x128xf32, #tpu.memory_space<vmem>>, vector<1x128xf32>
        tpu.vector_store %arg10[%swap3A_186, %swap3A_187], %select_n3A_185 {strides = array<i32>} : memref<16x128xf32, #tpu.memory_space<vmem>>, vector<1x128xf32>,
      }
    }
    %scan3A_8 = arith.constant 16 : i32
    %get3A = arith.constant 0 : index
    %get3A_9 = arith.constant 0 : index
    %get3A_10 = vector.load %arg2[%get3A, %get3A_9] : memref<16x128xf32, #tpu.memory_space<vmem>>, vector<16x128xf32>
    %get3A_11 = arith.constant 0 : index
    %get3A_12 = arith.constant 0 : index
    %get3A_13 = vector.load %arg0[%get3A_11, %get3A_12] : memref<16x128xf32, #tpu.memory_space<vmem>>, vector<16x128xf32>
    %sub3A = arith.subf %get3A_10, %get3A_13 : vector<16x128xf32>
    %get3A_14 = arith.constant 0 : index
    %get3A_15 = arith.constant 0 : index
    %get3A_16 = vector.load %arg3[%get3A_14, %get3A_15] : memref<16x128xf32, #tpu.memory_space<vmem>>, vector<16x128xf32>
    %get3A_17 = arith.constant 0 : index
    %get3A_18 = arith.constant 0 : index
    %get3A_19 = vector.load %arg1[%get3A_17, %get3A_18] : memref<16x128xf32, #tpu.memory_space<vmem>>, vector<16x128xf32>
    %sub3A_20 = arith.subf %get3A_16, %get3A_19 : vector<16x128xf32>
    %get3A_21 = arith.constant 0 : index
    %get3A_22 = arith.constant 0 : index
    %get3A_23 = vector.load %arg10[%get3A_21, %get3A_22] : memref<16x128xf32, #tpu.memory_space<vmem>>, vector<16x128xf32>
    %gt3A = arith.constant 0.000000e+00 : f32
    %gt3A_24 = vector.broadcast %gt3A : f32 to vector<16x128xf32>
    %gt3A_25 = arith.cmpf ogt, %get3A_23, %gt3A_24 : vector<16x128xf32>
    %gt3A_26 = arith.constant 0.000000e+00 : f32
    %gt3A_27 = vector.broadcast %gt3A_26 : f32 to vector<16x128xf32>
    %gt3A_28 = arith.cmpf ogt, %sub3A, %gt3A_27 : vector<16x128xf32>
    %and3A = arith.andi %gt3A_25, %gt3A_28 : vector<16x128xi1>
    %gt3A_29 = arith.constant 0.000000e+00 : f32
    %gt3A_30 = vector.broadcast %gt3A_29 : f32 to vector<16x128xf32>
    %gt3A_31 = arith.cmpf ogt, %sub3A_20, %gt3A_30 : vector<16x128xf32>
    %and3A_32 = arith.andi %and3A, %gt3A_31 : vector<16x128xi1>
    %get3A_33 = arith.constant 0 : index
    %get3A_34 = arith.constant 0 : index
    %get3A_35 = vector.load %arg8[%get3A_33, %get3A_34] : memref<16x128xf32, #tpu.memory_space<vmem>>, vector<16x128xf32>
    %jit3A = arith.constant -1.000000e+09 : f32
    %broadcast_in_dim3A_36 = vector.broadcast %jit3A : f32 to vector<16x128xf32>
    %select_n3A = arith.select %and3A_32, %get3A_35, %broadcast_in_dim3A_36 : vector<16x128xi1>, vector<16x128xf32>
    %swap3A_37 = arith.constant 0 : index
    %swap3A_38 = arith.constant 0 : index
    %swap3A_39 = vector.load %arg9[%swap3A_37, %swap3A_38] : memref<16x128xf32, #tpu.memory_space<vmem>>, vector<16x128xf32>
    tpu.vector_store %arg9[%swap3A_37, %swap3A_38], %select_n3A {strides = array<i32>} : memref<16x128xf32, #tpu.memory_space<vmem>>, vector<16x128xf32>,
    return
  }
}

</mosaic_0001>

<sc_bundles>
// kernel: gather_offload_async_start
scs
__scs_entry_jumppad:
0x0: {  	(pc) =	sbr.rel $0x88, $3  }
0x1: {  	(tag) =	ssettag $0x0;
	lr =	simm.s32 $0x1  }
0x2: {  	[smem:$0x3F9F] =	sst lr;
	_ =	strace $0xD0000000  }
0x3: {  	_ = 	snop  }
0x4: {  	_ = 	snop  }
0x5: {  	_ = 	snop  }
0x6: {  	_ = 	snop  }
0x7: {  	_ = 	snop  }
__scs_overlays_trampoline_lowered:
0x8: {  	[smem:$0x3FAE] =	sst s0  }
0x9: {  	[smem:$0x3FAF] =	sst s1  }
0xa: {  	[smem:$0x3FB0] =	sst s2  }
0xb: {  	[smem:$0x3FB1] =	sst s3  }
0xc: {  	[smem:$0x3FB2] =	sst s4  }
0xd: {  	[smem:$0x3FB3] =	sst s5  }
0xe: {  	[smem:$0x3FB4] =	sst s6  }
0xf: {  	[smem:$0x3FB5] =	sst s7  }
0x10: {  	[smem:$0x3FB6] =	sst s8  }
0x11: {  	[smem:$0x3FB7] =	sst s9;
	s0 =	simm.s32 @!p0 $0x0  }
0x12: {  	s1 =	sld [smem:$0x3F9D];
	s0 =	simm.s32 @p0 $0x1  }
0x13: {  	[smem:$0x3FB8] =	sst s0;
	s0 =	simm.s32 @!p1 $0x0  }
0x14: {  	s2 =	sld [smem:$0x3F9C];
	s0 =	simm.s32 @p1 $0x1  }
0x15: {  	[smem:$0x3FB9] =	sst s0;
	s0 =	simm.s32 @!p2 $0x0  }
0x16: {  	s3 =	sld [smem:$0x3FDB];
	s0 =	simm.s32 @p2 $0x1  }
0x17: {  	s4 =	simm.s32 $0x1BF5;
	[smem:$0x3FBB] =	sst s0  }
0x18: {  	s0 =	sld [smem:$0x3F9E];
	_ =	swait.ge [sflag:s4], $0x0  }
0x19: {  	s7 =	sld [smem:$0x3F9F]  }
0x1a: {  	s8 =	sadd.s32 $0xFFFFE003, lr  }
0x1b: {  	s9 =	sadd.s32 $0xFFFFFEF7, lr;
	s5 =	simm.s32 $0xFFFFFFFF;
	p2 =	slt.u32 s8, $0xFFFFF086  }
0x1c: {  	p1 =	slt.u32 s9, $0xF7A;
	s5 =	simm.s32 @!p2 $0x0  }
0x1d: {  	s5 =	simm.s32 @p1 $0x1;
	p0 =	seq.s32 s7, s2  }
0x1e: {  	s7 =	smul.u32 @!p0 $0xF7A, s2;
	p2 =	seq.s32 @!p0 s5, $0x0  }
0x1f: {  	s9 =	smul.u32 $0xF7A, s1;
	s8 =	simm.s32 @!p0 $0x1BF5;
	p2 =	por !p2, p0  }
0x20: {  	[sflag:s8] =	ssyncset.s32 @!p0 $0xFFFFF086;
	s6 =	sadd.s32 @!p0 s3, s7;
	s7 =	simm.s32 @!p0 $0x108  }
0x21: {  	s3 =	sadd.s32 s3, s9;
	s6 =	sadd.s32 @!p0 $0x88, s6;
	s7 =	simm.s32 @p2 $0x1082  }
0x22: {  	[simem:s7], [sflag:s8] =	dma.local @!p0 [hbm:s6], $0xF7A  }
0x23: {  	s9 =	sor.u32 $0xD0000000, s2;
	s6 =	simm.s32 $0x108;
	_ =	swait.ge @!p0 [sflag:s8], $0x0  }
0x24: {  	s3 =	sadd.s32 $0x88, s3;
	s6 =	simm.s32 @!p1 $0x1082;
	[sflag:s4] =	ssyncset.s32 $0xFFFFF086  }
0x25: {  	[simem:s6], [sflag:s4] =	dma.local [hbm:s3], $0xF7A  }
0x26: {  	[smem:$0x3F9F] =	sst s1;
	(tag) =	ssettag s2;
	_ =	strace s9  }
0x27: {  	s1 =	sld [smem:$0x3FAF]  }
0x28: {  	s2 =	sld [smem:$0x3FB0]  }
0x29: {  	s4 =	sld [smem:$0x3FB2]  }
0x2a: {  	p0 =	seq.s32 s5, $0x0;
	s5 =	sld [smem:$0x3FB3]  }
0x2b: {  	s6 =	sld [smem:$0x3FB4]  }
0x2c: {  	s7 =	sld [smem:$0x3FB5]  }
0x2d: {  	s3 =	simm.s32 $0x108;
	s8 =	sld [smem:$0x3FB6]  }
0x2e: {  	s3 =	simm.s32 @!p0 $0x1082;
	s9 =	sld [smem:$0x3FB7]  }
0x2f: {  	lr =	sadd.s32 s0, s3;
	s0 =	sld [smem:$0x3FAE]  }
0x30: {  	s3 =	sld [smem:$0x3FB1]  }
0x31: {  	[smem:$0x3FBA] =	sst s10  }
0x32: {  	s10 =	sld [smem:$0x3FB8];
	_ =	sdelay $0x3  }
0x33: {  	p0 =	seq.s32 s10, $0x1;
	s10 =	sld [smem:$0x3FBA];
	_ =	sdelay $0x3  }
0x34: {  	[smem:$0x3FBA] =	sst s10  }
0x35: {  	s10 =	sld [smem:$0x3FB9];
	_ =	sdelay $0x3  }
0x36: {  	p1 =	seq.s32 s10, $0x1;
	s10 =	sld [smem:$0x3FBA];
	_ =	sdelay $0x3  }
0x37: {  	[smem:$0x3FBA] =	sst s10  }
0x38: {  	s10 =	sld [smem:$0x3FBB]  }
0x39: {  	_ = 	snop;
	(pc) =	sbr.ind lr, $3  }
0x3a: {  	_ = 	snop  }
0x3b: {  	_ = 	snop  }
0x3c: {  	p2 =	seq.s32 s10, $0x1;
	s10 =	sld [smem:$0x3FBA]  }
0x3d: {  	_ =	shalt  }
0x3e: {  	_ =	shalt  }
0x3f: {  	_ =	shalt  }
0x40: {  	_ =	shalt  }
0x41: {  	_ =	shalt  }
0x42: {  	_ =	shalt  }
0x43: {  	_ =	shalt  }
0x44: {  	_ =	shalt  }
0x45: {  	_ =	shalt  }
0x46: {  	_ =	shalt  }
0x47: {  	_ =	shalt  }
0x48: {  	_ =	shalt  }
0x49: {  	_ =	shalt  }
0x4a: {  	_ =	shalt  }
0x4b: {  	_ =	shalt  }
0x4c: {  	_ =	shalt  }
0x4d: {  	_ =	shalt  }
0x4e: {  	_ =	shalt  }
0x4f: {  	_ =	shalt  }
0x50: {  	_ =	shalt  }
0x51: {  	_ =	shalt  }
0x52: {  	_ =	shalt  }
0x53: {  	_ =	shalt  }
0x54: {  	_ =	shalt  }
0x55: {  	_ =	shalt  }
0x56: {  	_ =	shalt  }
0x57: {  	_ =	shalt  }
0x58: {  	_ =	shalt  }
0x59: {  	_ =	shalt  }
0x5a: {  	_ =	shalt  }
0x5b: {  	_ =	shalt  }
0x5c: {  	_ =	shalt  }
0x5d: {  	_ =	shalt  }
0x5e: {  	_ =	shalt  }
0x5f: {  	_ =	shalt  }
0x60: {  	_ =	shalt  }
0x61: {  	_ =	shalt  }
0x62: {  	_ =	shalt  }
0x63: {  	_ =	shalt  }
0x64: {  	_ =	shalt  }
0x65: {  	_ =	shalt  }
0x66: {  	_ =	shalt  }
0x67: {  	_ =	shalt  }
0x68: {  	_ =	shalt  }
0x69: {  	_ =	shalt  }
0x6a: {  	_ =	shalt  }
0x6b: {  	_ =	shalt  }
0x6c: {  	_ =	shalt  }
0x6d: {  	_ =	shalt  }
0x6e: {  	_ =	shalt  }
0x6f: {  	_ =	shalt  }
0x70: {  	_ =	shalt  }
0x71: {  	_ =	shalt  }
0x72: {  	_ =	shalt  }
0x73: {  	_ =	shalt  }
0x74: {  	_ =	shalt  }
0x75: {  	_ =	shalt  }
0x76: {  	_ =	shalt  }
0x77: {  	_ =	shalt  }
0x78: {  	_ =	shalt  }
0x79: {  	_ =	shalt  }
0x7a: {  	_ =	shalt  }
0x7b: {  	_ =	shalt  }
0x7c: {  	_ =	shalt  }
0x7d: {  	_ =	shalt  }
0x7e: {  	_ =	shalt  }
0x7f: {  	_ =	shalt  }
0x80: {  	_ =	shalt  }
0x81: {  	_ =	shalt  }
0x82: {  	_ =	shalt  }
0x83: {  	_ =	shalt  }
0x84: {  	_ =	shalt  }
0x85: {  	_ =	shalt  }
0x86: {  	_ =	shalt  }
0x87: {  	_ =	shalt  }
.Lfunc_end0:
.L_simem_size_0:
called_computation_lowered:
.L_overlay_start_0:
0x88: {  	s0 =	sld [smem:$0x3FD9]  }
0x89: {  	s1 =	sld [smem:$0x3FFE];
	_ =	sdelay $0x3  }
0x8a: {  	s0 =	sadd.s32 s1, s0  }
0x8b: {  	[smem:$0x3FC6] =	sst s0  }
0x8c: {  	_ = 	snop  }
0x8d: {  	s0 =	sld [smem:$0x3FD0];
	(tm) =	ssettm $0x1  }
0x8e: {  	s16 =	sld [smem:$0x3FFB];
	_ =	sdelay $0x3  }
0x8f: {  	_ =	strace s16  }
0x90: {  	s1 =	sld [smem:$0x3FFC];
	_ =	sdelay $0x3  }
0x91: {  	_ =	strace s1  }
0x92: {  	s1 =	sld [smem:$0x3FFD];
	_ =	sdelay $0x3  }
0x93: {  	_ =	strace s1  }
0x94: {  	_ =	strace $0x8FFFFFFF  }
0x95: {  	s17 =	sld [smem:$0x3FDB];
	_ =	sdelay $0x1  }
0x96: {  	s2 =	simm.s32 $_scs_section_size  }
0x97: {  	s3 =	simm.s32 $_size__tile_overlayer_lowered;
	s4 =	simm.s32 $_tile_overlayer_lowered  }
0x98: {  	s20 =	simm.s32 $0x1BFF;
	s19 =	sshll.u32 s4, $0x1;
	s1 =	sadd.s32 s2, s17  }
0x99: {  	s5 =	simm.s32 $0x0;
	s18 =	sshll.u32 s3, $0x1;
	s3 =	sadd.s32 s19, s1  }
0x9a: {  	[timem:s5], [sflag:s20] =	dma.local [hbm:s3], s18  }
0x9b: {  	_ =	swait.ge [sflag:s20], s18  }
0x9c: {  	s2 =	ssub.s32 $0x0, s18;
	[sflag:s20] =	ssyncset.done $0x0  }
0x9d: {  	[sflag:s20] =	ssyncadd.s32 s2;
	_ =	sdelay $0x1  }
0x9e: {  	s21 =	simm.s32 $0x1B8B  }
0x9f: {  	_ =	swait.ge [sflag:s21], $0x1  }
0xa0: {  	[sflag:s21] =	ssyncset.done $0x0  }
0xa1: {  	s23 =	simm.s32 $0x1B8E;
	s22 =	sld [smem:$0x3FFE];
	[sflag:s21] =	ssyncadd.s32 $0xFFFFFFFF  }
0xa2: {  	s24 =	simm.s32 $execute0_lowered;
	[smem:$0x3FD2] =	sst s23  }
0xa3: {  	s3 =	sshll.u32 s24, $0x1;
	_ =	strace $0x80000046;
	[dreg:$0x1] =	wrdreg $0xFFFFFFFF  }
0xa4: {  	s25 =	simm.s32 $_size_execute0_lowered;
	s1 =	sadd.s32 s1, s3;
	[dreg:$0x0] =	wrdreg $0x0  }
0xa5: {  	s3 =	sshll.u32 s25, $0x1;
	[dreg:$0x2] =	wrdreg s1  }
0xa6: {  	[dreg:$0x3] =	wrdreg s3  }
0xa7: {  	[dreg:$0x4] =	wrdreg $0xC0  }
0xa8: {  	_ =	task [dreg:s5], $0x5FFFF  }
0xa9: {  	[dreg:$0x1] =	wrdreg $0xFFFFFFFF  }
0xaa: {  	[dreg:$0x0] =	wrdreg $0x60  }
0xab: {  	[dreg:$0x2] =	wrdreg s22  }
0xac: {  	[dreg:$0x3] =	wrdreg s0  }
0xad: {  	[dreg:$0x4] =	wrdreg $0x9  }
0xae: {  	_ =	task.clear_ibuf [dreg:s5], $0x5FFFF;
	_ =	strace $0x90000046  }
0xaf: {  	s26 =	simm.s32 $0x9;
	_ =	strace $0x80000048  }
0xb0: {  	_ =	swait.ge [sflag:s26], $0x1  }
0xb1: {  	[sflag:s26] =	ssyncadd.s32 $0xFFFFFFFF  }
0xb2: {  	_ =	strace $0x90000048  }
0xb3: {  	_ =	sfence  }
0xb4: {  	s28 =	sld [smem:$0x0];
	_ =	sdelay $0x1  }
0xb5: {  	s29 =	srdreg.scid  }
0xb6: {  	s30 =	sshll.u32 s29, $0xD;
	s31 =	sshrl.u32 s29, $0x2  }
0xb7: {  	s2 =	sand.u32 $0x4000, s30;
	s1 =	sand.u32 $0x1, s29;
	s0 =	sadd.s32 s31, s28  }
0xb8: {  	s1 =	sor.u32 s2, s1;
	s0 =	sshll.u32 s0, $0x11  }
0xb9: {  	s0 =	sor.u32 s0, s1  }
0xba: {  	s0 =	sadd.s32 $0x8F2B, s0  }
0xbb: {  	[sflag:s0] =	ssyncadd.remote.s32 $0x1  }
0xbc: {  	_ =	sfence.sel $0xFFFF  }
0xbd: {  	[dreg:$0x0] =	wrdreg $0xFFFFFFFF;
	(pc) =	sbr.abs _section_cstart, $3  }
0xbe: {  	[dreg:$0x1] =	wrdreg $0xFFFFFFFF  }
0xbf: {  	_ =	task.clear_ibuf [dreg:s5], $0x2FFFF;
	_ =	strace $0x9FFFFFFF  }
0xc0: {  	(tm) =	ssettm $0x7FFFFFFF  }
0xc1: {  	_ =	shalt  }
tec
execute0_lowered:
.L_overlay_start_1:
0x0: {  	(tag) =	ssettag $0x1  }
0x1: {  	s0 =	stileid.u32  }
0x2: {  	s1 =	smin.u32 s0, $0x9  }
0x3: {  	s1 =	sadd.s32 s0, s1  }
0x4: {  	s2 =	simm.s32 $0xA0;
	p0 =	slt.u32 s0, $0x9;
	s1 =	smul.u32 $0x50, s1  }
0x5: {  	s2 =	simm.s32 @!p0 $0x50  }
0x6: {  	s2 =	sadd.s32 s2, s1  }
0x7: {  	s3 =	smin.u32 s2, $0x7D0  }
0x8: {  	s7 =	ssub.s32 s3, s1  }
0x9: {  	p0 =	sgt.s32 s7, $0x0  }
0xa: {  	s7 =	simm.s32 @!p0 $0x0  }
0xb: {  	s4 =	rddreg [dreg:$0x0];
	s31 =	smul.u32 $0xCCCD, s7  }
0xc: {  	s5 =	rddreg [dreg:$0x1]  }
0xd: {  	s6 =	simm.s32 $0x1;
	s10 =	simm.s32 $0x3;
	s8 =	sshrl.u32 s31, $0x16  }
0xe: {  	s13 =	simm.s32 $0x0;
	s12 =	simm.s32 $0x0;
	s9 =	smul.u32 $0x50, s8  }
.Ltmp0:
0xf: {  	s11 =	smov.u32 s1;
	s2 =	rddreg [dreg:$0x2];
	(pc) =	sbr.rel .LBB2_1-.Ltmp0, $4  }
0x10: {  	_ =	strace $0x80000047;
	p0 =	sne.s32 s7, s9;
	s9 =	simm.s32 $0x1  }
0x11: {  	[sflag:s6] =	ssyncpa.u1 $0x0;
	s7 =	simm.s32 $0x2;
	s9 =	simm.s32 @!p0 $0x0  }
0x12: {  	[sflag:s7] =	ssyncpa.u1 $0x0;
	p0 =	por $0x0, $0x0;
	s8 =	sadd.s32 s8, s9  }
0x13: {  	vm0 =	vmmov $0xff;
	vm1 =	vcmask $0x3F20;
	s9 =	sadd.s32 $0x4E200, s4;
	[sflag:s10] =	ssyncpa.u1 $0x0;
	s10 =	sadd.s32 $0x1, s8  }
.LBB2_6:
0x14: {  	[hbm:s17] =	stream.linear.scatter [tilespmem:s14], [sflag:$0x3], $0x400, $0x38;
	[tilespmem:$0x50A0] =	vst v63  }
.LBB2_7:
0x15: {  	s13 =	sadd.s32 $0x50, s11  }
0x16: {  	s15 =	smov.u32 s1;
	p2 =	slt.s32 s13, s3  }
0x17: {  	s15 =	smov.u32 @p2 s13;
	p2 =	sne.s32 s12, s10  }
.Ltmp1:
0x18: {  	p1 =	slt.u32 s12, $0x2;
	(pc) =	sbr.rel @!p2 .LBB2_8-.Ltmp1, $4  }
0x19: {  	s14 =	simm.s32 @!p1 $0x3  }
0x1a: {  	s16 =	sadd.s32 $0x1, s12;
	_ =	swait.ge @!p1 [sflag:s14], $0x2800  }
0x1b: {  	p0 =	por !p0, !p0;
	s13 =	smov.u32 s11;
	[sflag:s14] =	ssyncset.done @!p1 $0x0  }
0x1c: {  	s12 =	smov.u32 s16;
	s11 =	smov.u32 s15;
	[sflag:s14] =	ssyncadd.s32 @!p1 $0xFFFFD800  }
.LBB2_1:
0x1d: {  	p1 =	sge.u32 s12, s8  }
0x1e: {  	s14 =	sxor.u32 @!p1 $0xFFFFFFFF, s12  }
0x1f: {  	s14 =	sand.u32 @!p1 $0x1, s14  }
0x20: {  	s14 =	smul.u32 @!p1 $0x140, s14  }
0x21: {  	s31 =	sadd.s32 $0xFFFFFFFF, s12;
	s15 =	sshrl.u32 @!p1 s11, $0x3  }
0x22: {  	s16 =	sand.u32 @!p1 $0x7, s11;
	s15 =	sadd.s32 @!p1 s5, s15;
	s14 =	sshrl.u32 @!p1 s14, $0x2  }
0x23: {  	[tilespmem:s14], [sflag:$0x2] =	stream.linear.gather @!p1 [hbm4b:s15+s16], $0x50, $0x38;
	[tilespmem:$0x50A0] =	vst v63  }
0x24: {  	p1 =	sge.u32 s31, s8  }
.Ltmp2:
0x25: {  	_ = 	snop;
	(pc) =	sbr.rel @p1 .LBB2_7-.Ltmp2, $1  }
0x26: {  	_ =	sdelay $0x3  }
0x27: {  	s14 =	simm.s32 $0x1  }
0x28: {  	s14 =	simm.s32 @!p0 $0x0  }
0x29: {  	s15 =	smul.u32 $0x140, s14  }
0x2a: {  	_ =	swait.ge [sflag:s7], $0x50  }
0x2b: {  	[sflag:s7] =	ssyncset.done $0x0;
	s16 =	sshrl.u32 s15, $0x2  }
0x2c: {  	[sflag:s7] =	ssyncadd.s32 $0xFFFFFFB0;
	s15 =	sadd.s32 $0x0, s16  }
0x2d: {  	v0 =	vld.msk [tilespmem:s15+$0x0 ss:$0x1], $0xffff;
	_ =	sdelay $0x4  }
0x2e: {  	vm2 =	vgt.s32 v0, $0x0  }
0x2f: {  	v0 =	vnsel vm2, $0x0, v0  }
0x30: {  	v0 =	vmin.u32 v0, $0x4E1F  }
0x31: {  	v0 =	vshll.u32 v0, $0x4  }
0x32: {  	s14 =	smul.u32 $0xA000, s14;
	_ =	sdelay $0x1  }
0x33: {  	s14 =	sshrl.u32 s14, $0x2  }
0x34: {  	s14 =	sor.u32 $0xA0, s14  }
0x35: {  	[tilespmem:s14], [sflag:$0x1] =	stream.indirect_vreg.gather [hbm:s4], $0x80, v0, vm0, $0x38;
	[tilespmem:$0x50A0] =	vst v63  }
0x36: {  	s17 =	sadd.s32 $0x10, s16;
	s15 =	sadd.s32 $0x400, s14  }
0x37: {  	[tilespmem:s15], [sflag:$0x1] =	stream.indirect_vreg.gather [hbm:s4], $0x80, v0, vm1, $0x38;
	[tilespmem:$0x50A0] =	vst v63  }
0x38: {  	s18 =	simm.s32 $0x80;
	v0 =	vld.msk [tilespmem:s17+$0x0 ss:$0x1], $0xffff;
	s17 =	smov.u32 s14  }
.LBB2_3:
0x39: {  	p1 =	sne.s32 s18, $0x100;
	_ =	sdelay $0x4  }
0x3a: {  	vm2 =	vgt.s32 v0, $0x0  }
0x3b: {  	v0 =	vnsel vm2, $0x0, v0  }
0x3c: {  	v0 =	vmin.u32 v0, $0x4E1F  }
0x3d: {  	v0 =	vshll.u32 v0, $0x4;
	_ =	sdelay $0x3  }
.Ltmp3:
0x3e: {  	s19 =	sshra.s32 s18, $0x2;
	s17 =	sadd.s32 $0x800, s17;
	(pc) =	sbr.rel @p1 .LBB2_3-.Ltmp3, $4  }
0x3f: {  	[tilespmem:s17], [sflag:$0x1] =	stream.indirect_vreg.gather [hbm:s4], $0x80, v0, vm0, $0x38;
	[tilespmem:$0x50A0] =	vst v63  }
0x40: {  	s19 =	sadd.s32 s19, s16;
	s20 =	sadd.s32 $0x400, s17  }
0x41: {  	[tilespmem:s20], [sflag:$0x1] =	stream.indirect_vreg.gather [hbm:s4], $0x80, v0, vm1, $0x38;
	[tilespmem:$0x50A0] =	vst v63  }
0x42: {  	s18 =	sadd.s32 $0x40, s18;
	v0 =	vld.msk [tilespmem:s19+$0x0 ss:$0x1], $0xffff  }
0x43: {  	_ =	sdelay $0x3  }
0x44: {  	vm2 =	vgt.s32 v0, $0x0  }
0x45: {  	v0 =	vnsel vm2, $0x0, v0  }
0x46: {  	v0 =	vmin.u32 v0, $0x4E1F  }
0x47: {  	v0 =	vshll.u32 v0, $0x4;
	_ =	sdelay $0x3  }
0x48: {  	s16 =	sadd.s32 $0x800, s17  }
0x49: {  	[tilespmem:s16], [sflag:$0x1] =	stream.indirect_vreg.gather [hbm:s4], $0x80, v0, vm0, $0x38;
	[tilespmem:$0x50A0] =	vst v63  }
0x4a: {  	s16 =	sadd.s32 $0x400, s16  }
0x4b: {  	[tilespmem:s16], [sflag:$0x1] =	stream.indirect_vreg.gather [hbm:s4], $0x80, v0, vm1, $0x38;
	[tilespmem:$0x50A0] =	vst v63  }
0x4c: {  	s13 =	sshll.u32 s13, $0x4;
	_ =	swait.ge [sflag:s6], $0x2800  }
0x4d: {  	s13 =	sadd.s32 s13, s9;
	[sflag:s6] =	ssyncset.done $0x0  }
0x4e: {  	s17 =	sadd.s32 $0x0, s13;
	s16 =	simm.s32 $0x80;
	[sflag:s6] =	ssyncadd.s32 $0xFFFFD800  }
.LBB2_5:
0x4f: {  	[hbm:s17] =	stream.linear.scatter [tilespmem:s14], [sflag:$0x3], $0x400, $0x38;
	[tilespmem:$0x50A0] =	vst v63  }
0x50: {  	s17 =	smov.u32 s16;
	s14 =	smov.u32 s15;
	p1 =	sne.s32 s16, $0x480  }
.Ltmp4:
0x51: {  	s16 =	sadd.s32 $0x80, s16;
	(pc) =	sbr.rel @p1 .LBB2_5-.Ltmp4, $2  }
0x52: {  	_ =	sdelay $0x2  }
0x53: {  	s15 =	sadd.s32 $0x400, s15;
	s17 =	sadd.s32 s17, s13  }
.Ltmp5:
0x54: {  	_ = 	snop;
	(pc) =	sbr.rel .LBB2_6-.Ltmp5, $1  }
0x55: {  	_ =	sdelay $0x3  }
.LBB2_8:
0x56: {  	_ =	sfence.sel $0x180000  }
0x57: {  	s1 =	simm.s32 $0x2;
	[bflag:$0x0] =	sbarrier.arrive $0xFFFF  }
0x58: {  	s30 =	simm.s32 $0x3;
	[sflag:s1] =	ssyncpa.u1 $0x1  }
0x59: {  	s31 =	simm.s32 $0x1;
	[sflag:s30] =	ssyncpa.u1 $0x1  }
0x5a: {  	[sflag:s31] =	ssyncpa.u1 $0x1  }
0x5b: {  	p0 =	sne.s32 s0, $0x0;
	_ =	strace $0x90000047  }
0x5c: {  	s0 =	sadd.s32 @!p0 $0x100000, s2;
	[bflag:$0x2] =	sbarrier.arrive $0xFFFF  }
0x5d: {  	[sflag:s0] =	ssyncadd.tile.s32 @!p0 $0x1;
	_ =	shalt  }
.Lfunc_end2:
_tile_overlayer_lowered:
.L_overlay_start_2:
0x5e: {  	(tag) =	ssettag $0x2  }
0x5f: {  	s0 =	rddreg [dreg:$0x0];
	s2 =	stileid.u32  }
0x60: {  	s1 =	rddreg [dreg:$0x1];
	p0 =	sne.s32 s2, $0x0  }
0x61: {  	s3 =	rddreg [dreg:$0x2];
	[bflag:$0x3] =	sbarrier.arrive $0xFFFF;
	s2 =	simm.s32 @!p0 $0x1C01  }
0x62: {  	[timem:s3], [sflag:s2] =	dma.local @!p0 [hbm:s0], s1  }
0x63: {  	s0 =	simm.s32 @!p0 $0x1  }
0x64: {  	_ =	swait.ge @!p0 [sflag:s0], s1  }
0x65: {  	s1 =	ssub.s32 @!p0 $0x0, s1;
	[sflag:s0] =	ssyncset.done @!p0 $0x0  }
0x66: {  	[sflag:s0] =	ssyncadd.s32 @!p0 s1  }
0x67: {  	[bflag:$0x3] =	sbarrier.arrive $0xFFFF  }
0x68: {  	_ =	shalt  }

</sc_bundles>
